<compile_context>
chip_gen: v7x
topology: tpu7x:2x2x1
jax: 0.10.2.dev20260603
libtpu: 0.0.44.dev20260713+nightly
codegen_flags: <defaults>
</compile_context>

<pallas_src>
import functools

import jax
import jax.numpy as jnp
from jax import lax
from jax.experimental import pallas as pl
from jax.experimental.pallas import tpu as pltpu
from jax.experimental.pallas import tpu_sc as plsc

N_NODES = 10000
D_IN = 128
N_HEADS = 8
D_OUT = 16
DMODEL = N_HEADS * D_OUT
NEG_SLOPE = 0.2

NP = 10112
CHUNK = 48
N_TILES = 32


def _tc1_body(x_ref, w_ref, a_ref, feat_ref, t_ref):
    feat = jnp.dot(x_ref[...], w_ref[...], preferred_element_type=jnp.float32)
    feat_ref[...] = feat
    t_ref[...] = jnp.dot(feat, a_ref[...], preferred_element_type=jnp.float32)


def _tc1(x, w, a_pack):
    return pl.pallas_call(
        _tc1_body,
        out_shape=[
            jax.ShapeDtypeStruct((N_NODES, DMODEL), jnp.float32),
            jax.ShapeDtypeStruct((N_NODES, 2 * N_HEADS), jnp.float32),
        ],
    )(x, w, a_pack)


_GATHER_DNUMS = lax.GatherDimensionNumbers(
    offset_dims=(), collapsed_slice_dims=(0,), start_index_map=(0,))


def _splat(v, idx):
    return lax.gather(v, idx[:, None], _GATHER_DNUMS, slice_sizes=(1,),
                      mode=lax.GatherScatterMode.PROMISE_IN_BOUNDS)
def _sc_edge_kernel(n_chunks_per_tile):
    mesh = plsc.VectorSubcoreMesh(core_axis_name="c", subcore_axis_name="s")
    ep_per_tile = n_chunks_per_tile * CHUNK
    rows_per_tile = NP // 16

    @functools.partial(
        pl.kernel,
        mesh=mesh,
        out_type=[
            jax.ShapeDtypeStruct((2, NP, DMODEL), jnp.float32),
            jax.ShapeDtypeStruct((2, NP, 16), jnp.float32),
        ],
        scratch_types=[
            pltpu.VMEM((CHUNK,), jnp.int32),
            pltpu.VMEM((CHUNK,), jnp.int32),
            pltpu.VMEM((CHUNK, DMODEL), jnp.float32),
            pltpu.VMEM((CHUNK, 16), jnp.float32),
            pltpu.VMEM((CHUNK, 16), jnp.float32),
            pltpu.VMEM((CHUNK, DMODEL), jnp.float32),
            pltpu.VMEM((CHUNK, 16), jnp.float32),
            pltpu.VMEM_SHARED((NP, DMODEL), jnp.float32),
            pltpu.VMEM_SHARED((NP, 16), jnp.float32),
            pltpu.SemaphoreType.DMA,
        ],
        compiler_params=pltpu.CompilerParams(use_tc_tiling_on_sc=False),
    )
    def k(feat_hbm, t1_hbm, t2_hbm, src_hbm, dst_hbm, zacc_hbm, zden_hbm,
          acc_out, den_out,
          src_v, dst_v, fs_v, ts_v, td_v, msg_v, ee_v, acc_s, den_s, sem):
        cid = lax.axis_index("c")
        sid = lax.axis_index("s")
        wid = sid * 2 + cid

        r0 = sid * rows_per_tile
        pltpu.sync_copy(zacc_hbm.at[pl.ds(r0, rows_per_tile)],
                        acc_s.at[pl.ds(r0, rows_per_tile)])
        pltpu.sync_copy(zden_hbm.at[pl.ds(r0, rows_per_tile)],
                        den_s.at[pl.ds(r0, rows_per_tile)])
        plsc.subcore_barrier()

        lane = lax.iota(jnp.int32, 16)
        head_lo = lane < 8

        def edge_body(j, _):
            a = ts_v[j, :]
            b = td_v[j, :]
            z = a + b
            e = jnp.where(z > 0, z, NEG_SLOPE * z)
            ee = jnp.where(head_lo, jnp.exp(e), 0.0)
            ee_v[j, :] = ee
            for h in range(N_HEADS):
                idx = jnp.full((16,), h, jnp.int32)
                w = _splat(ee, idx)
                f = fs_v[j, pl.ds(16 * h, 16)]
                msg_v[j, pl.ds(16 * h, 16)] = f * w
            return _

        def chunk_body(ci, _):
            off = (wid * n_chunks_per_tile + ci) * CHUNK
            pltpu.sync_copy(src_hbm.at[pl.ds(off, CHUNK)], src_v)
            pltpu.sync_copy(dst_hbm.at[pl.ds(off, CHUNK)], dst_v)
            c1 = pltpu.async_copy(feat_hbm.at[src_v], fs_v, sem)
            c2 = pltpu.async_copy(t1_hbm.at[src_v], ts_v, sem)
            c3 = pltpu.async_copy(t2_hbm.at[dst_v], td_v, sem)
            c1.wait()
            c2.wait()
            c3.wait()
            lax.fori_loop(0, CHUNK, edge_body, None)
            pltpu.sync_copy(ee_v, den_s.at[dst_v], add=True)
            pltpu.sync_copy(msg_v, acc_s.at[dst_v], add=True)
            return _

        lax.fori_loop(0, n_chunks_per_tile, chunk_body, None)
        plsc.subcore_barrier()

        pltpu.sync_copy(acc_s.at[pl.ds(r0, rows_per_tile)],
                        acc_out.at[cid, pl.ds(r0, rows_per_tile)])
        pltpu.sync_copy(den_s.at[pl.ds(r0, rows_per_tile)],
                        den_out.at[cid, pl.ds(r0, rows_per_tile)])

    return k


def _tc3_body(acc_ref, den_ref, k_ref, bias_ref, out_ref):
    a = acc_ref[0, :N_NODES, :] + acc_ref[1, :N_NODES, :]
    d = den_ref[0, :N_NODES, :] + den_ref[1, :N_NODES, :]
    d128 = jnp.dot(d, k_ref[...], preferred_element_type=jnp.float32)
    v = a / (d128 + 1e-9) + bias_ref[...][None, :]
    neg = jnp.exp(jnp.minimum(v, 0.0)) - 1.0
    out_ref[...] = jnp.where(v > 0, v, neg)


def _tc3(acc, den, k_exp, bias):
    return pl.pallas_call(
        _tc3_body,
        out_shape=jax.ShapeDtypeStruct((N_NODES, DMODEL), jnp.float32),
    )(acc, den, k_exp, bias)


def kernel(x, edge_index, W, a_src, a_dst, bias):
    n_edges = edge_index.shape[1]
    n_chunks_per_tile = -(-n_edges // (N_TILES * CHUNK))
    ep = n_chunks_per_tile * N_TILES * CHUNK

    hh = jnp.arange(DMODEL, dtype=jnp.int32) // D_OUT
    onehot = (hh[:, None] == jnp.arange(N_HEADS, dtype=jnp.int32)[None, :])
    onehot = onehot.astype(jnp.float32)
    a_pack = jnp.concatenate(
        [a_src.reshape(DMODEL)[:, None] * onehot,
         a_dst.reshape(DMODEL)[:, None] * onehot], axis=1)

    feat, t = _tc1(x, W, a_pack)

    pad_n = NP - N_NODES
    featp = jnp.pad(feat, ((0, pad_n), (0, 0)))
    tp = jnp.pad(t, ((0, pad_n), (0, 0)))
    t1 = tp
    t2 = jnp.concatenate([tp[:, 8:], tp[:, :8]], 1)

    ei = edge_index.astype(jnp.int32)
    pad_e = ep - n_edges
    src = jnp.concatenate([ei[0], jnp.full((pad_e,), NP - 1, jnp.int32)])
    dst = jnp.concatenate([ei[1], jnp.full((pad_e,), NP - 1, jnp.int32)])

    zacc = jnp.zeros((NP, DMODEL), jnp.float32)
    zden = jnp.zeros((NP, 16), jnp.float32)

    acc, den = _sc_edge_kernel(n_chunks_per_tile)(
        featp, t1, t2, src, dst, zacc, zden)

    k_exp = (jnp.arange(16, dtype=jnp.int32)[:, None]
             == jnp.arange(DMODEL, dtype=jnp.int32)[None, :] // D_OUT)
    k_exp = k_exp.astype(jnp.float32)
    return _tc3(acc, den, k_exp, bias)

# --- scband reference (transcript-rebuilt; emitter-appended) ---
"""Pipeline reference for scband-my-gat-42829413875725 (READ-ONLY COPY).

The authoritative reference and input builder live on the scoring server;
editing this copy changes nothing except your own understanding.
"""

import jax, jax.numpy as jnp
import numpy as np

N_NODES = 10000
N_EDGES = 320000
D_IN = 128
N_HEADS = 8
D_OUT = 16
NEG_SLOPE = 0.2


def setup_inputs(seed: int = 0) -> dict:
    key = jax.random.key(seed)
    k1, k2, k3, k4, k5, k6 = jax.random.split(key, 6)
    x = jax.random.normal(k1, (N_NODES, D_IN), dtype=jnp.float32)
    edge_index = jax.random.randint(k2, (2, N_EDGES), 0, N_NODES, dtype=jnp.int64)
    # learned parameters of the core myGATConv layer (xavier-style scaling)
    W = jax.random.normal(k3, (D_IN, N_HEADS * D_OUT), dtype=jnp.float32) * (1.414 * np.sqrt(2.0 / (D_IN + N_HEADS * D_OUT)))
    a_src = jax.random.normal(k4, (N_HEADS, D_OUT), dtype=jnp.float32) * 0.1
    a_dst = jax.random.normal(k5, (N_HEADS, D_OUT), dtype=jnp.float32) * 0.1
    bias = jnp.zeros((N_HEADS * D_OUT,), dtype=jnp.float32)
    return {"x": x, "edge_index": edge_index, "W": W, "a_src": a_src, "a_dst": a_dst, "bias": bias}


def reference(x, edge_index, W, a_src, a_dst, bias):
    # Faithful GAT message passing as in myGATConv (the core op of myGAT's gat_layers):
    # linear projection -> per-head additive attention logits -> leaky_relu ->
    # edge softmax over incoming edges (segment softmax by dst) -> weighted scatter-add -> bias + elu.
    N = x.shape[0]
    feat = (x @ W).reshape(N, N_HEADS, D_OUT)              # [N, H, F]
    el = jnp.sum(feat * a_src[None, :, :], axis=-1)         # [N, H]
    er = jnp.sum(feat * a_dst[None, :, :], axis=-1)         # [N, H]
    src = edge_index[0]
    dst = edge_index[1]
    e = jax.nn.leaky_relu(el[src] + er[dst], NEG_SLOPE)     # [E, H]
    # segment softmax over destination nodes
    emax = jax.ops.segment_max(e, dst, num_segments=N)      # [N, H]
    emax = jnp.where(jnp.isfinite(emax), emax, 0.0)
    ee = jnp.exp(e - emax[dst])                             # [E, H]
    denom = jax.ops.segment_sum(ee, dst, num_segments=N)    # [N, H]
    att = ee / (denom[dst] + 1e-9)                          # [E, H]
    msg = feat[src] * att[:, :, None]                       # [E, H, F]
    out = jax.ops.segment_sum(msg, dst, num_segments=N)     # [N, H, F]
    out = out.reshape(N, N_HEADS * D_OUT) + bias[None, :]
    return jax.nn.elu(out)

if __name__ == "__main__":
    import jax
    _d = setup_inputs()
    print(jax.jit(kernel)(*tuple(_d.values())))

</pallas_src>

<mosaic_0001>
#map = affine_map<(d0, d1) -> (0, 0)>
#map1 = affine_map<(d0, d1) -> (0)>
#map2 = affine_map<(d0, d1) -> (0, 0, 0)>
module attributes {stable_mosaic.version = 14 : i64} {
  func.func @k(%arg0: i32, %arg1: i32, %arg2: memref<10112x128xf32, #tpu.memory_space<hbm>>, %arg3: memref<10112x16xf32, #tpu.memory_space<hbm>>, %arg4: memref<10112x16xf32, #tpu.memory_space<hbm>>, %arg5: memref<321024xi32, #tpu.memory_space<hbm>>, %arg6: memref<321024xi32, #tpu.memory_space<hbm>>, %arg7: memref<10112x128xf32, #tpu.memory_space<hbm>>, %arg8: memref<10112x16xf32, #tpu.memory_space<hbm>>, %arg9: memref<2x10112x128xf32, #tpu.memory_space<hbm>>, %arg10: memref<2x10112x16xf32, #tpu.memory_space<hbm>>, %arg11: memref<48xi32, #tpu.memory_space<vmem>>, %arg12: memref<48xi32, #tpu.memory_space<vmem>>, %arg13: memref<48x128xf32, #tpu.memory_space<vmem>>, %arg14: memref<48x16xf32, #tpu.memory_space<vmem>>, %arg15: memref<48x16xf32, #tpu.memory_space<vmem>>, %arg16: memref<48x128xf32, #tpu.memory_space<vmem>>, %arg17: memref<48x16xf32, #tpu.memory_space<vmem>>, %arg18: memref<10112x128xf32, #tpu.memory_space<vmem_shared>>, %arg19: memref<10112x16xf32, #tpu.memory_space<vmem_shared>>, %arg20: memref<!tpu.dma_semaphore, #tpu.memory_space<semaphore_mem>>) attributes {dimension_semantics = [#tpu.dimension_semantics<core_parallel>, #tpu.dimension_semantics<subcore_parallel>], iteration_bounds = array<i64: 2, 16>, scalar_prefetch = 0 : i64, scratch_operands = 10 : i64, tpu.core_type = #tpu.core_type<sc_vector_subcore>, window_params = [{transform_indices = #map}, {transform_indices = #map}, {transform_indices = #map}, {transform_indices = #map1}, {transform_indices = #map1}, {transform_indices = #map}, {transform_indices = #map}, {transform_indices = #map2}, {transform_indices = #map2}]} {
    %mul3A = arith.constant 2 : i32
    %mul3A_0 = arith.muli %arg1, %mul3A : i32
    %add3A = arith.addi %mul3A_0, %arg0 : i32
    %mul3A_1 = arith.constant 632 : i32
    %mul3A_2 = arith.muli %arg1, %mul3A_1 : i32
    "tpu.region"() ({
      %run_scoped3A = tpu.sem_alloc : memref<!tpu.dma_semaphore, #tpu.memory_space<semaphore_mem>>
      %dma_start3A = arith.constant 0 : i32
      %dma_start3A_10 = tpu.memref_slice %arg18[%mul3A_2, %dma_start3A] : memref<10112x128xf32, #tpu.memory_space<vmem_shared>> -> memref<632x128xf32, #tpu.memory_space<vmem_shared>>
      %dma_start3A_11 = arith.constant 0 : i32
      %dma_start3A_12 = tpu.memref_slice %arg7[%mul3A_2, %dma_start3A_11] : memref<10112x128xf32, #tpu.memory_space<hbm>> -> memref<632x128xf32, #tpu.memory_space<hbm>>
      tpu.enqueue_dma source(%dma_start3A_12 : memref<632x128xf32, #tpu.memory_space<hbm>>) target(%dma_start3A_10 : memref<632x128xf32, #tpu.memory_space<vmem_shared>>) target_semaphore(%run_scoped3A : memref<!tpu.dma_semaphore, #tpu.memory_space<semaphore_mem>>)
      %dma_wait3A = arith.constant 0 : i32
      %dma_wait3A_13 = tpu.memref_slice %arg18[%mul3A_2, %dma_wait3A] : memref<10112x128xf32, #tpu.memory_space<vmem_shared>> -> memref<632x128xf32, #tpu.memory_space<vmem_shared>>
      %dma_wait3A_14 = arith.constant 0 : i32
      %dma_wait3A_15 = tpu.memref_slice %arg7[%mul3A_2, %dma_wait3A_14] : memref<10112x128xf32, #tpu.memory_space<hbm>> -> memref<632x128xf32, #tpu.memory_space<hbm>>
      tpu.wait_dma2 semaphore(%run_scoped3A : memref<!tpu.dma_semaphore, #tpu.memory_space<semaphore_mem>>) src(%dma_wait3A_15 : memref<632x128xf32, #tpu.memory_space<hbm>>) dst(%dma_wait3A_13 : memref<632x128xf32, #tpu.memory_space<vmem_shared>>)
      tpu.yield
    }) : () -> ()
    "tpu.region"() ({
      %run_scoped3A = tpu.sem_alloc : memref<!tpu.dma_semaphore, #tpu.memory_space<semaphore_mem>>
      %dma_start3A = arith.constant 0 : i32
      %dma_start3A_10 = tpu.memref_slice %arg19[%mul3A_2, %dma_start3A] : memref<10112x16xf32, #tpu.memory_space<vmem_shared>> -> memref<632x16xf32, #tpu.memory_space<vmem_shared>>
      %dma_start3A_11 = arith.constant 0 : i32
      %dma_start3A_12 = tpu.memref_slice %arg8[%mul3A_2, %dma_start3A_11] : memref<10112x16xf32, #tpu.memory_space<hbm>> -> memref<632x16xf32, #tpu.memory_space<hbm>>
      tpu.enqueue_dma source(%dma_start3A_12 : memref<632x16xf32, #tpu.memory_space<hbm>>) target(%dma_start3A_10 : memref<632x16xf32, #tpu.memory_space<vmem_shared>>) target_semaphore(%run_scoped3A : memref<!tpu.dma_semaphore, #tpu.memory_space<semaphore_mem>>)
      %dma_wait3A = arith.constant 0 : i32
      %dma_wait3A_13 = tpu.memref_slice %arg19[%mul3A_2, %dma_wait3A] : memref<10112x16xf32, #tpu.memory_space<vmem_shared>> -> memref<632x16xf32, #tpu.memory_space<vmem_shared>>
      %dma_wait3A_14 = arith.constant 0 : i32
      %dma_wait3A_15 = tpu.memref_slice %arg8[%mul3A_2, %dma_wait3A_14] : memref<10112x16xf32, #tpu.memory_space<hbm>> -> memref<632x16xf32, #tpu.memory_space<hbm>>
      tpu.wait_dma2 semaphore(%run_scoped3A : memref<!tpu.dma_semaphore, #tpu.memory_space<semaphore_mem>>) src(%dma_wait3A_15 : memref<632x16xf32, #tpu.memory_space<hbm>>) dst(%dma_wait3A_13 : memref<632x16xf32, #tpu.memory_space<vmem_shared>>)
      tpu.yield
    }) : () -> ()
    %barrier3A = arith.constant 0 : index
    tpu.barrier barrier_id(%barrier3A)
    %iota3A = tpu.iota {dimensions = array<i32: 0>} : vector<16xi32>
    %lt3A = arith.constant 8 : i32
    %lt3A_3 = vector.broadcast %lt3A : i32 to vector<16xi32>
    %lt3A_4 = arith.cmpi slt, %iota3A, %lt3A_3 : vector<16xi32>
    %scan3A = arith.constant 0 : i32
    %scan3A_5 = arith.constant 209 : i32
    %scan3A_6 = arith.addi %scan3A, %scan3A_5 : i32
    %scan3A_7 = arith.constant 1 : i32
    scf.for %scan3A_10 = %scan3A to %scan3A_6 step %scan3A_7  : i32 {
      %mul3A_11 = arith.constant 209 : i32
      %mul3A_12 = arith.muli %add3A, %mul3A_11 : i32
      %add3A_13 = arith.addi %mul3A_12, %scan3A_10 : i32
      %mul3A_14 = arith.constant 48 : i32
      %mul3A_15 = arith.muli %add3A_13, %mul3A_14 : i32
      "tpu.region"() ({
        %run_scoped3A = tpu.sem_alloc : memref<!tpu.dma_semaphore, #tpu.memory_space<semaphore_mem>>
        %dma_start3A_37 = tpu.memref_slice %arg5[%mul3A_15] : memref<321024xi32, #tpu.memory_space<hbm>> -> memref<48xi32, #tpu.memory_space<hbm>>
        %dma_start3A_38 = tpu.memref_slice %arg5[%mul3A_15] : memref<321024xi32, #tpu.memory_space<hbm>> -> memref<48xi32, #tpu.memory_space<hbm>>
        tpu.enqueue_dma source(%dma_start3A_38 : memref<48xi32, #tpu.memory_space<hbm>>) target(%arg11 : memref<48xi32, #tpu.memory_space<vmem>>) target_semaphore(%run_scoped3A : memref<!tpu.dma_semaphore, #tpu.memory_space<semaphore_mem>>)
        %dma_wait3A_39 = tpu.memref_slice %arg5[%mul3A_15] : memref<321024xi32, #tpu.memory_space<hbm>> -> memref<48xi32, #tpu.memory_space<hbm>>
        %dma_wait3A_40 = tpu.memref_slice %arg5[%mul3A_15] : memref<321024xi32, #tpu.memory_space<hbm>> -> memref<48xi32, #tpu.memory_space<hbm>>
        tpu.wait_dma2 semaphore(%run_scoped3A : memref<!tpu.dma_semaphore, #tpu.memory_space<semaphore_mem>>) src(%dma_wait3A_40 : memref<48xi32, #tpu.memory_space<hbm>>) dst(%arg11 : memref<48xi32, #tpu.memory_space<vmem>>)
        tpu.yield
      }) : () -> ()
      "tpu.region"() ({
        %run_scoped3A = tpu.sem_alloc : memref<!tpu.dma_semaphore, #tpu.memory_space<semaphore_mem>>
        %dma_start3A_37 = tpu.memref_slice %arg6[%mul3A_15] : memref<321024xi32, #tpu.memory_space<hbm>> -> memref<48xi32, #tpu.memory_space<hbm>>
        %dma_start3A_38 = tpu.memref_slice %arg6[%mul3A_15] : memref<321024xi32, #tpu.memory_space<hbm>> -> memref<48xi32, #tpu.memory_space<hbm>>
        tpu.enqueue_dma source(%dma_start3A_38 : memref<48xi32, #tpu.memory_space<hbm>>) target(%arg12 : memref<48xi32, #tpu.memory_space<vmem>>) target_semaphore(%run_scoped3A : memref<!tpu.dma_semaphore, #tpu.memory_space<semaphore_mem>>)
        %dma_wait3A_39 = tpu.memref_slice %arg6[%mul3A_15] : memref<321024xi32, #tpu.memory_space<hbm>> -> memref<48xi32, #tpu.memory_space<hbm>>
        %dma_wait3A_40 = tpu.memref_slice %arg6[%mul3A_15] : memref<321024xi32, #tpu.memory_space<hbm>> -> memref<48xi32, #tpu.memory_space<hbm>>
        tpu.wait_dma2 semaphore(%run_scoped3A : memref<!tpu.dma_semaphore, #tpu.memory_space<semaphore_mem>>) src(%dma_wait3A_40 : memref<48xi32, #tpu.memory_space<hbm>>) dst(%arg12 : memref<48xi32, #tpu.memory_space<vmem>>)
        tpu.yield
      }) : () -> ()
      %dma_start3A = arith.constant 0 : i32
      %dma_start3A_16 = arith.constant 0 : i32
      %dma_start3A_17 = tpu.memref_slice %arg2[%dma_start3A, %dma_start3A_16] : memref<10112x128xf32, #tpu.memory_space<hbm>> -> memref<10112x128xf32, #tpu.memory_space<hbm>>
      tpu.enqueue_indirect_dma source(%dma_start3A_17 : memref<10112x128xf32, #tpu.memory_space<hbm>>) target(%arg13 : memref<48x128xf32, #tpu.memory_space<vmem>>) offsets(%arg11 : memref<48xi32, #tpu.memory_space<vmem>>) semaphore(%arg20 : memref<!tpu.dma_semaphore, #tpu.memory_space<semaphore_mem>>)
      %dma_start3A_18 = arith.constant 0 : i32
      %dma_start3A_19 = arith.constant 0 : i32
      %dma_start3A_20 = tpu.memref_slice %arg3[%dma_start3A_18, %dma_start3A_19] : memref<10112x16xf32, #tpu.memory_space<hbm>> -> memref<10112x16xf32, #tpu.memory_space<hbm>>
      tpu.enqueue_indirect_dma source(%dma_start3A_20 : memref<10112x16xf32, #tpu.memory_space<hbm>>) target(%arg14 : memref<48x16xf32, #tpu.memory_space<vmem>>) offsets(%arg11 : memref<48xi32, #tpu.memory_space<vmem>>) semaphore(%arg20 : memref<!tpu.dma_semaphore, #tpu.memory_space<semaphore_mem>>)
      %dma_start3A_21 = arith.constant 0 : i32
      %dma_start3A_22 = arith.constant 0 : i32
      %dma_start3A_23 = tpu.memref_slice %arg4[%dma_start3A_21, %dma_start3A_22] : memref<10112x16xf32, #tpu.memory_space<hbm>> -> memref<10112x16xf32, #tpu.memory_space<hbm>>
      tpu.enqueue_indirect_dma source(%dma_start3A_23 : memref<10112x16xf32, #tpu.memory_space<hbm>>) target(%arg15 : memref<48x16xf32, #tpu.memory_space<vmem>>) offsets(%arg12 : memref<48xi32, #tpu.memory_space<vmem>>) semaphore(%arg20 : memref<!tpu.dma_semaphore, #tpu.memory_space<semaphore_mem>>)
      %dma_wait3A = arith.constant 0 : i32
      %dma_wait3A_24 = arith.constant 0 : i32
      %dma_wait3A_25 = tpu.memref_slice %arg2[%dma_wait3A, %dma_wait3A_24] : memref<10112x128xf32, #tpu.memory_space<hbm>> -> memref<10112x128xf32, #tpu.memory_space<hbm>>
      tpu.wait_indirect_dma semaphore(%arg20 : memref<!tpu.dma_semaphore, #tpu.memory_space<semaphore_mem>>) src(%dma_wait3A_25 : memref<10112x128xf32, #tpu.memory_space<hbm>>) dst(%arg13 : memref<48x128xf32, #tpu.memory_space<vmem>>)
      %dma_wait3A_26 = arith.constant 0 : i32
      %dma_wait3A_27 = arith.constant 0 : i32
      %dma_wait3A_28 = tpu.memref_slice %arg3[%dma_wait3A_26, %dma_wait3A_27] : memref<10112x16xf32, #tpu.memory_space<hbm>> -> memref<10112x16xf32, #tpu.memory_space<hbm>>
      tpu.wait_indirect_dma semaphore(%arg20 : memref<!tpu.dma_semaphore, #tpu.memory_space<semaphore_mem>>) src(%dma_wait3A_28 : memref<10112x16xf32, #tpu.memory_space<hbm>>) dst(%arg14 : memref<48x16xf32, #tpu.memory_space<vmem>>)
      %dma_wait3A_29 = arith.constant 0 : i32
      %dma_wait3A_30 = arith.constant 0 : i32
      %dma_wait3A_31 = tpu.memref_slice %arg4[%dma_wait3A_29, %dma_wait3A_30] : memref<10112x16xf32, #tpu.memory_space<hbm>> -> memref<10112x16xf32, #tpu.memory_space<hbm>>
      tpu.wait_indirect_dma semaphore(%arg20 : memref<!tpu.dma_semaphore, #tpu.memory_space<semaphore_mem>>) src(%dma_wait3A_31 : memref<10112x16xf32, #tpu.memory_space<hbm>>) dst(%arg15 : memref<48x16xf32, #tpu.memory_space<vmem>>)
      %scan3A_32 = arith.constant 0 : i32
      %scan3A_33 = arith.constant 48 : i32
      %scan3A_34 = arith.addi %scan3A_32, %scan3A_33 : i32
      %scan3A_35 = arith.constant 1 : i32
      scf.for %scan3A_37 = %scan3A_32 to %scan3A_34 step %scan3A_35  : i32 {
        %get3A = arith.index_cast %scan3A_37 : i32 to index
        %get3A_38 = arith.constant 0 : index
        %get3A_39 = tpu.vector_load %arg14[%get3A, %get3A_38] {strides = array<i32>} : memref<48x16xf32, #tpu.memory_space<vmem>>, vector<1x16xf32>,
        %get3A_40 = vector.shape_cast %get3A_39 : vector<1x16xf32> to vector<16xf32>
        %get3A_41 = arith.index_cast %scan3A_37 : i32 to index
        %get3A_42 = arith.constant 0 : index
        %get3A_43 = tpu.vector_load %arg15[%get3A_41, %get3A_42] {strides = array<i32>} : memref<48x16xf32, #tpu.memory_space<vmem>>, vector<1x16xf32>,
        %get3A_44 = vector.shape_cast %get3A_43 : vector<1x16xf32> to vector<16xf32>
        %add3A_45 = arith.addf %get3A_40, %get3A_44 : vector<16xf32>
        %gt3A = arith.constant 0.000000e+00 : f32
        %gt3A_46 = vector.broadcast %gt3A : f32 to vector<16xf32>
        %gt3A_47 = arith.cmpf ogt, %add3A_45, %gt3A_46 : vector<16xf32>
        %mul3A_48 = arith.constant 2.000000e-01 : f32
        %mul3A_49 = vector.broadcast %mul3A_48 : f32 to vector<16xf32>
        %mul3A_50 = arith.mulf %mul3A_49, %add3A_45 : vector<16xf32>
        %select_n3A = arith.select %gt3A_47, %add3A_45, %mul3A_50 : vector<16xi1>, vector<16xf32>
        %exp3A = math.exp %select_n3A : vector<16xf32>
        %jit3A = arith.constant 0.000000e+00 : f32
        %broadcast_in_dim3A = vector.broadcast %jit3A : f32 to vector<16xf32>
        %select_n3A_51 = arith.select %lt3A_4, %exp3A, %broadcast_in_dim3A : vector<16xi1>, vector<16xf32>
        %swap3A = arith.index_cast %scan3A_37 : i32 to index
        %swap3A_52 = arith.constant 0 : index
        %swap3A_53 = tpu.vector_load %arg17[%swap3A, %swap3A_52] {strides = array<i32>} : memref<48x16xf32, #tpu.memory_space<vmem>>, vector<1x16xf32>,
        %swap3A_54 = vector.shape_cast %swap3A_53 : vector<1x16xf32> to vector<16xf32>
        %swap3A_55 = vector.shape_cast %select_n3A_51 : vector<16xf32> to vector<1x16xf32>
        tpu.vector_store %arg17[%swap3A, %swap3A_52], %swap3A_55 {strides = array<i32>} : memref<48x16xf32, #tpu.memory_space<vmem>>, vector<1x16xf32>,
        %broadcast_in_dim3A_56 = arith.constant 0 : i32
        %broadcast_in_dim3A_57 = vector.broadcast %broadcast_in_dim3A_56 : i32 to vector<16xi32>
        %broadcast_in_dim3A_58 = vector.shape_cast %broadcast_in_dim3A_57 : vector<16xi32> to vector<16x1xi32>
        %gather3A = vector.shape_cast %broadcast_in_dim3A_58 : vector<16x1xi32> to vector<16xi32>
        %gather3A_59 = tpu.dynamic_gather %select_n3A_51[%gather3A] in [0] : vector<16xf32>, vector<16xi32> -> vector<16xf32>
        %get3A_60 = arith.index_cast %scan3A_37 : i32 to index
        %get3A_61 = arith.constant 0 : index
        %get3A_62 = tpu.vector_load %arg13[%get3A_60, %get3A_61] {strides = array<i32>} : memref<48x128xf32, #tpu.memory_space<vmem>>, vector<1x16xf32>,
        %get3A_63 = vector.shape_cast %get3A_62 : vector<1x16xf32> to vector<16xf32>
        %mul3A_64 = arith.mulf %get3A_63, %gather3A_59 : vector<16xf32>
        %swap3A_65 = arith.index_cast %scan3A_37 : i32 to index
        %swap3A_66 = arith.constant 0 : index
        %swap3A_67 = tpu.vector_load %arg16[%swap3A_65, %swap3A_66] {strides = array<i32>} : memref<48x128xf32, #tpu.memory_space<vmem>>, vector<1x16xf32>,
        %swap3A_68 = vector.shape_cast %swap3A_67 : vector<1x16xf32> to vector<16xf32>
        %swap3A_69 = vector.shape_cast %mul3A_64 : vector<16xf32> to vector<1x16xf32>
        tpu.vector_store %arg16[%swap3A_65, %swap3A_66], %swap3A_69 {strides = array<i32>} : memref<48x128xf32, #tpu.memory_space<vmem>>, vector<1x16xf32>,
        %broadcast_in_dim3A_70 = arith.constant 1 : i32
        %broadcast_in_dim3A_71 = vector.broadcast %broadcast_in_dim3A_70 : i32 to vector<16xi32>
        %broadcast_in_dim3A_72 = vector.shape_cast %broadcast_in_dim3A_71 : vector<16xi32> to vector<16x1xi32>
        %gather3A_73 = vector.shape_cast %broadcast_in_dim3A_72 : vector<16x1xi32> to vector<16xi32>
        %gather3A_74 = tpu.dynamic_gather %select_n3A_51[%gather3A_73] in [0] : vector<16xf32>, vector<16xi32> -> vector<16xf32>
        %get3A_75 = arith.index_cast %scan3A_37 : i32 to index
        %get3A_76 = arith.constant 16 : index
        %get3A_77 = tpu.vector_load %arg13[%get3A_75, %get3A_76] {strides = array<i32>} : memref<48x128xf32, #tpu.memory_space<vmem>>, vector<1x16xf32>,
        %get3A_78 = vector.shape_cast %get3A_77 : vector<1x16xf32> to vector<16xf32>
        %mul3A_79 = arith.mulf %get3A_78, %gather3A_74 : vector<16xf32>
        %swap3A_80 = arith.index_cast %scan3A_37 : i32 to index
        %swap3A_81 = arith.constant 16 : index
        %swap3A_82 = tpu.vector_load %arg16[%swap3A_80, %swap3A_81] {strides = array<i32>} : memref<48x128xf32, #tpu.memory_space<vmem>>, vector<1x16xf32>,
        %swap3A_83 = vector.shape_cast %swap3A_82 : vector<1x16xf32> to vector<16xf32>
        %swap3A_84 = vector.shape_cast %mul3A_79 : vector<16xf32> to vector<1x16xf32>
        tpu.vector_store %arg16[%swap3A_80, %swap3A_81], %swap3A_84 {strides = array<i32>} : memref<48x128xf32, #tpu.memory_space<vmem>>, vector<1x16xf32>,
        %broadcast_in_dim3A_85 = arith.constant 2 : i32
        %broadcast_in_dim3A_86 = vector.broadcast %broadcast_in_dim3A_85 : i32 to vector<16xi32>
        %broadcast_in_dim3A_87 = vector.shape_cast %broadcast_in_dim3A_86 : vector<16xi32> to vector<16x1xi32>
        %gather3A_88 = vector.shape_cast %broadcast_in_dim3A_87 : vector<16x1xi32> to vector<16xi32>
        %gather3A_89 = tpu.dynamic_gather %select_n3A_51[%gather3A_88] in [0] : vector<16xf32>, vector<16xi32> -> vector<16xf32>
        %get3A_90 = arith.index_cast %scan3A_37 : i32 to index
        %get3A_91 = arith.constant 32 : index
        %get3A_92 = tpu.vector_load %arg13[%get3A_90, %get3A_91] {strides = array<i32>} : memref<48x128xf32, #tpu.memory_space<vmem>>, vector<1x16xf32>,
        %get3A_93 = vector.shape_cast %get3A_92 : vector<1x16xf32> to vector<16xf32>
        %mul3A_94 = arith.mulf %get3A_93, %gather3A_89 : vector<16xf32>
        %swap3A_95 = arith.index_cast %scan3A_37 : i32 to index
        %swap3A_96 = arith.constant 32 : index
        %swap3A_97 = tpu.vector_load %arg16[%swap3A_95, %swap3A_96] {strides = array<i32>} : memref<48x128xf32, #tpu.memory_space<vmem>>, vector<1x16xf32>,
        %swap3A_98 = vector.shape_cast %swap3A_97 : vector<1x16xf32> to vector<16xf32>
        %swap3A_99 = vector.shape_cast %mul3A_94 : vector<16xf32> to vector<1x16xf32>
        tpu.vector_store %arg16[%swap3A_95, %swap3A_96], %swap3A_99 {strides = array<i32>} : memref<48x128xf32, #tpu.memory_space<vmem>>, vector<1x16xf32>,
        %broadcast_in_dim3A_100 = arith.constant 3 : i32
        %broadcast_in_dim3A_101 = vector.broadcast %broadcast_in_dim3A_100 : i32 to vector<16xi32>
        %broadcast_in_dim3A_102 = vector.shape_cast %broadcast_in_dim3A_101 : vector<16xi32> to vector<16x1xi32>
        %gather3A_103 = vector.shape_cast %broadcast_in_dim3A_102 : vector<16x1xi32> to vector<16xi32>
        %gather3A_104 = tpu.dynamic_gather %select_n3A_51[%gather3A_103] in [0] : vector<16xf32>, vector<16xi32> -> vector<16xf32>
        %get3A_105 = arith.index_cast %scan3A_37 : i32 to index
        %get3A_106 = arith.constant 48 : index
        %get3A_107 = tpu.vector_load %arg13[%get3A_105, %get3A_106] {strides = array<i32>} : memref<48x128xf32, #tpu.memory_space<vmem>>, vector<1x16xf32>,
        %get3A_108 = vector.shape_cast %get3A_107 : vector<1x16xf32> to vector<16xf32>
        %mul3A_109 = arith.mulf %get3A_108, %gather3A_104 : vector<16xf32>
        %swap3A_110 = arith.index_cast %scan3A_37 : i32 to index
        %swap3A_111 = arith.constant 48 : index
        %swap3A_112 = tpu.vector_load %arg16[%swap3A_110, %swap3A_111] {strides = array<i32>} : memref<48x128xf32, #tpu.memory_space<vmem>>, vector<1x16xf32>,
        %swap3A_113 = vector.shape_cast %swap3A_112 : vector<1x16xf32> to vector<16xf32>
        %swap3A_114 = vector.shape_cast %mul3A_109 : vector<16xf32> to vector<1x16xf32>
        tpu.vector_store %arg16[%swap3A_110, %swap3A_111], %swap3A_114 {strides = array<i32>} : memref<48x128xf32, #tpu.memory_space<vmem>>, vector<1x16xf32>,
        %broadcast_in_dim3A_115 = arith.constant 4 : i32
        %broadcast_in_dim3A_116 = vector.broadcast %broadcast_in_dim3A_115 : i32 to vector<16xi32>
        %broadcast_in_dim3A_117 = vector.shape_cast %broadcast_in_dim3A_116 : vector<16xi32> to vector<16x1xi32>
        %gather3A_118 = vector.shape_cast %broadcast_in_dim3A_117 : vector<16x1xi32> to vector<16xi32>
        %gather3A_119 = tpu.dynamic_gather %select_n3A_51[%gather3A_118] in [0] : vector<16xf32>, vector<16xi32> -> vector<16xf32>
        %get3A_120 = arith.index_cast %scan3A_37 : i32 to index
        %get3A_121 = arith.constant 64 : index
        %get3A_122 = tpu.vector_load %arg13[%get3A_120, %get3A_121] {strides = array<i32>} : memref<48x128xf32, #tpu.memory_space<vmem>>, vector<1x16xf32>,
        %get3A_123 = vector.shape_cast %get3A_122 : vector<1x16xf32> to vector<16xf32>
        %mul3A_124 = arith.mulf %get3A_123, %gather3A_119 : vector<16xf32>
        %swap3A_125 = arith.index_cast %scan3A_37 : i32 to index
        %swap3A_126 = arith.constant 64 : index
        %swap3A_127 = tpu.vector_load %arg16[%swap3A_125, %swap3A_126] {strides = array<i32>} : memref<48x128xf32, #tpu.memory_space<vmem>>, vector<1x16xf32>,
        %swap3A_128 = vector.shape_cast %swap3A_127 : vector<1x16xf32> to vector<16xf32>
        %swap3A_129 = vector.shape_cast %mul3A_124 : vector<16xf32> to vector<1x16xf32>
        tpu.vector_store %arg16[%swap3A_125, %swap3A_126], %swap3A_129 {strides = array<i32>} : memref<48x128xf32, #tpu.memory_space<vmem>>, vector<1x16xf32>,
        %broadcast_in_dim3A_130 = arith.constant 5 : i32
        %broadcast_in_dim3A_131 = vector.broadcast %broadcast_in_dim3A_130 : i32 to vector<16xi32>
        %broadcast_in_dim3A_132 = vector.shape_cast %broadcast_in_dim3A_131 : vector<16xi32> to vector<16x1xi32>
        %gather3A_133 = vector.shape_cast %broadcast_in_dim3A_132 : vector<16x1xi32> to vector<16xi32>
        %gather3A_134 = tpu.dynamic_gather %select_n3A_51[%gather3A_133] in [0] : vector<16xf32>, vector<16xi32> -> vector<16xf32>
        %get3A_135 = arith.index_cast %scan3A_37 : i32 to index
        %get3A_136 = arith.constant 80 : index
        %get3A_137 = tpu.vector_load %arg13[%get3A_135, %get3A_136] {strides = array<i32>} : memref<48x128xf32, #tpu.memory_space<vmem>>, vector<1x16xf32>,
        %get3A_138 = vector.shape_cast %get3A_137 : vector<1x16xf32> to vector<16xf32>
        %mul3A_139 = arith.mulf %get3A_138, %gather3A_134 : vector<16xf32>
        %swap3A_140 = arith.index_cast %scan3A_37 : i32 to index
        %swap3A_141 = arith.constant 80 : index
        %swap3A_142 = tpu.vector_load %arg16[%swap3A_140, %swap3A_141] {strides = array<i32>} : memref<48x128xf32, #tpu.memory_space<vmem>>, vector<1x16xf32>,
        %swap3A_143 = vector.shape_cast %swap3A_142 : vector<1x16xf32> to vector<16xf32>
        %swap3A_144 = vector.shape_cast %mul3A_139 : vector<16xf32> to vector<1x16xf32>
        tpu.vector_store %arg16[%swap3A_140, %swap3A_141], %swap3A_144 {strides = array<i32>} : memref<48x128xf32, #tpu.memory_space<vmem>>, vector<1x16xf32>,
        %broadcast_in_dim3A_145 = arith.constant 6 : i32
        %broadcast_in_dim3A_146 = vector.broadcast %broadcast_in_dim3A_145 : i32 to vector<16xi32>
        %broadcast_in_dim3A_147 = vector.shape_cast %broadcast_in_dim3A_146 : vector<16xi32> to vector<16x1xi32>
        %gather3A_148 = vector.shape_cast %broadcast_in_dim3A_147 : vector<16x1xi32> to vector<16xi32>
        %gather3A_149 = tpu.dynamic_gather %select_n3A_51[%gather3A_148] in [0] : vector<16xf32>, vector<16xi32> -> vector<16xf32>
        %get3A_150 = arith.index_cast %scan3A_37 : i32 to index
        %get3A_151 = arith.constant 96 : index
        %get3A_152 = tpu.vector_load %arg13[%get3A_150, %get3A_151] {strides = array<i32>} : memref<48x128xf32, #tpu.memory_space<vmem>>, vector<1x16xf32>,
        %get3A_153 = vector.shape_cast %get3A_152 : vector<1x16xf32> to vector<16xf32>
        %mul3A_154 = arith.mulf %get3A_153, %gather3A_149 : vector<16xf32>
        %swap3A_155 = arith.index_cast %scan3A_37 : i32 to index
        %swap3A_156 = arith.constant 96 : index
        %swap3A_157 = tpu.vector_load %arg16[%swap3A_155, %swap3A_156] {strides = array<i32>} : memref<48x128xf32, #tpu.memory_space<vmem>>, vector<1x16xf32>,
        %swap3A_158 = vector.shape_cast %swap3A_157 : vector<1x16xf32> to vector<16xf32>
        %swap3A_159 = vector.shape_cast %mul3A_154 : vector<16xf32> to vector<1x16xf32>
        tpu.vector_store %arg16[%swap3A_155, %swap3A_156], %swap3A_159 {strides = array<i32>} : memref<48x128xf32, #tpu.memory_space<vmem>>, vector<1x16xf32>,
        %broadcast_in_dim3A_160 = arith.constant 7 : i32
        %broadcast_in_dim3A_161 = vector.broadcast %broadcast_in_dim3A_160 : i32 to vector<16xi32>
        %broadcast_in_dim3A_162 = vector.shape_cast %broadcast_in_dim3A_161 : vector<16xi32> to vector<16x1xi32>
        %gather3A_163 = vector.shape_cast %broadcast_in_dim3A_162 : vector<16x1xi32> to vector<16xi32>
        %gather3A_164 = tpu.dynamic_gather %select_n3A_51[%gather3A_163] in [0] : vector<16xf32>, vector<16xi32> -> vector<16xf32>
        %get3A_165 = arith.index_cast %scan3A_37 : i32 to index
        %get3A_166 = arith.constant 112 : index
        %get3A_167 = tpu.vector_load %arg13[%get3A_165, %get3A_166] {strides = array<i32>} : memref<48x128xf32, #tpu.memory_space<vmem>>, vector<1x16xf32>,
        %get3A_168 = vector.shape_cast %get3A_167 : vector<1x16xf32> to vector<16xf32>
        %mul3A_169 = arith.mulf %get3A_168, %gather3A_164 : vector<16xf32>
        %swap3A_170 = arith.index_cast %scan3A_37 : i32 to index
        %swap3A_171 = arith.constant 112 : index
        %swap3A_172 = tpu.vector_load %arg16[%swap3A_170, %swap3A_171] {strides = array<i32>} : memref<48x128xf32, #tpu.memory_space<vmem>>, vector<1x16xf32>,
        %swap3A_173 = vector.shape_cast %swap3A_172 : vector<1x16xf32> to vector<16xf32>
        %swap3A_174 = vector.shape_cast %mul3A_169 : vector<16xf32> to vector<1x16xf32>
        tpu.vector_store %arg16[%swap3A_170, %swap3A_171], %swap3A_174 {strides = array<i32>} : memref<48x128xf32, #tpu.memory_space<vmem>>, vector<1x16xf32>,
      }
      %scan3A_36 = arith.constant 48 : i32
      "tpu.region"() ({
        %run_scoped3A = tpu.sem_alloc : memref<!tpu.dma_semaphore, #tpu.memory_space<semaphore_mem>>
        %dma_start3A_37 = arith.constant 0 : i32
        %dma_start3A_38 = arith.constant 0 : i32
        %dma_start3A_39 = tpu.memref_slice %arg19[%dma_start3A_37, %dma_start3A_38] : memref<10112x16xf32, #tpu.memory_space<vmem_shared>> -> memref<10112x16xf32, #tpu.memory_space<vmem_shared>>
        tpu.enqueue_indirect_dma source(%arg17 : memref<48x16xf32, #tpu.memory_space<vmem>>) target(%dma_start3A_39 : memref<10112x16xf32, #tpu.memory_space<vmem_shared>>) offsets(%arg12 : memref<48xi32, #tpu.memory_space<vmem>>) semaphore(%run_scoped3A : memref<!tpu.dma_semaphore, #tpu.memory_space<semaphore_mem>>) {add = true}
        %dma_wait3A_40 = arith.constant 0 : i32
        %dma_wait3A_41 = arith.constant 0 : i32
        %dma_wait3A_42 = tpu.memref_slice %arg19[%dma_wait3A_40, %dma_wait3A_41] : memref<10112x16xf32, #tpu.memory_space<vmem_shared>> -> memref<10112x16xf32, #tpu.memory_space<vmem_shared>>
        tpu.wait_indirect_dma semaphore(%run_scoped3A : memref<!tpu.dma_semaphore, #tpu.memory_space<semaphore_mem>>) src(%arg17 : memref<48x16xf32, #tpu.memory_space<vmem>>) dst(%dma_wait3A_42 : memref<10112x16xf32, #tpu.memory_space<vmem_shared>>)
        tpu.yield
      }) : () -> ()
      "tpu.region"() ({
        %run_scoped3A = tpu.sem_alloc : memref<!tpu.dma_semaphore, #tpu.memory_space<semaphore_mem>>
        %dma_start3A_37 = arith.constant 0 : i32
        %dma_start3A_38 = arith.constant 0 : i32
        %dma_start3A_39 = tpu.memref_slice %arg18[%dma_start3A_37, %dma_start3A_38] : memref<10112x128xf32, #tpu.memory_space<vmem_shared>> -> memref<10112x128xf32, #tpu.memory_space<vmem_shared>>
        tpu.enqueue_indirect_dma source(%arg16 : memref<48x128xf32, #tpu.memory_space<vmem>>) target(%dma_start3A_39 : memref<10112x128xf32, #tpu.memory_space<vmem_shared>>) offsets(%arg12 : memref<48xi32, #tpu.memory_space<vmem>>) semaphore(%run_scoped3A : memref<!tpu.dma_semaphore, #tpu.memory_space<semaphore_mem>>) {add = true}
        %dma_wait3A_40 = arith.constant 0 : i32
        %dma_wait3A_41 = arith.constant 0 : i32
        %dma_wait3A_42 = tpu.memref_slice %arg18[%dma_wait3A_40, %dma_wait3A_41] : memref<10112x128xf32, #tpu.memory_space<vmem_shared>> -> memref<10112x128xf32, #tpu.memory_space<vmem_shared>>
        tpu.wait_indirect_dma semaphore(%run_scoped3A : memref<!tpu.dma_semaphore, #tpu.memory_space<semaphore_mem>>) src(%arg16 : memref<48x128xf32, #tpu.memory_space<vmem>>) dst(%dma_wait3A_42 : memref<10112x128xf32, #tpu.memory_space<vmem_shared>>)
        tpu.yield
      }) : () -> ()
    }
    %scan3A_8 = arith.constant 209 : i32
    %barrier3A_9 = arith.constant 0 : index
    tpu.barrier barrier_id(%barrier3A_9)
    "tpu.region"() ({
      %run_scoped3A = tpu.sem_alloc : memref<!tpu.dma_semaphore, #tpu.memory_space<semaphore_mem>>
      %dma_start3A = arith.constant 0 : i32
      %dma_start3A_10 = tpu.memref_slice %arg9[%arg0, %mul3A_2, %dma_start3A] : memref<2x10112x128xf32, #tpu.memory_space<hbm>> -> memref<1x632x128xf32, #tpu.memory_space<hbm>>
      %dma_start3A_11 = tpu.memref_squeeze %dma_start3A_10 : memref<1x632x128xf32, #tpu.memory_space<hbm>> -> memref<632x128xf32, #tpu.memory_space<hbm>>
      %dma_start3A_12 = arith.constant 0 : i32
      %dma_start3A_13 = tpu.memref_slice %arg18[%mul3A_2, %dma_start3A_12] : memref<10112x128xf32, #tpu.memory_space<vmem_shared>> -> memref<632x128xf32, #tpu.memory_space<vmem_shared>>
      tpu.enqueue_dma source(%dma_start3A_13 : memref<632x128xf32, #tpu.memory_space<vmem_shared>>) target(%dma_start3A_11 : memref<632x128xf32, #tpu.memory_space<hbm>>) target_semaphore(%run_scoped3A : memref<!tpu.dma_semaphore, #tpu.memory_space<semaphore_mem>>)
      %dma_wait3A = arith.constant 0 : i32
      %dma_wait3A_14 = tpu.memref_slice %arg9[%arg0, %mul3A_2, %dma_wait3A] : memref<2x10112x128xf32, #tpu.memory_space<hbm>> -> memref<1x632x128xf32, #tpu.memory_space<hbm>>
      %dma_wait3A_15 = tpu.memref_squeeze %dma_wait3A_14 : memref<1x632x128xf32, #tpu.memory_space<hbm>> -> memref<632x128xf32, #tpu.memory_space<hbm>>
      %dma_wait3A_16 = arith.constant 0 : i32
      %dma_wait3A_17 = tpu.memref_slice %arg18[%mul3A_2, %dma_wait3A_16] : memref<10112x128xf32, #tpu.memory_space<vmem_shared>> -> memref<632x128xf32, #tpu.memory_space<vmem_shared>>
      tpu.wait_dma2 semaphore(%run_scoped3A : memref<!tpu.dma_semaphore, #tpu.memory_space<semaphore_mem>>) src(%dma_wait3A_17 : memref<632x128xf32, #tpu.memory_space<vmem_shared>>) dst(%dma_wait3A_15 : memref<632x128xf32, #tpu.memory_space<hbm>>)
      tpu.yield
    }) : () -> ()
    "tpu.region"() ({
      %run_scoped3A = tpu.sem_alloc : memref<!tpu.dma_semaphore, #tpu.memory_space<semaphore_mem>>
      %dma_start3A = arith.constant 0 : i32
      %dma_start3A_10 = tpu.memref_slice %arg10[%arg0, %mul3A_2, %dma_start3A] : memref<2x10112x16xf32, #tpu.memory_space<hbm>> -> memref<1x632x16xf32, #tpu.memory_space<hbm>>
      %dma_start3A_11 = tpu.memref_squeeze %dma_start3A_10 : memref<1x632x16xf32, #tpu.memory_space<hbm>> -> memref<632x16xf32, #tpu.memory_space<hbm>>
      %dma_start3A_12 = arith.constant 0 : i32
      %dma_start3A_13 = tpu.memref_slice %arg19[%mul3A_2, %dma_start3A_12] : memref<10112x16xf32, #tpu.memory_space<vmem_shared>> -> memref<632x16xf32, #tpu.memory_space<vmem_shared>>
      tpu.enqueue_dma source(%dma_start3A_13 : memref<632x16xf32, #tpu.memory_space<vmem_shared>>) target(%dma_start3A_11 : memref<632x16xf32, #tpu.memory_space<hbm>>) target_semaphore(%run_scoped3A : memref<!tpu.dma_semaphore, #tpu.memory_space<semaphore_mem>>)
      %dma_wait3A = arith.constant 0 : i32
      %dma_wait3A_14 = tpu.memref_slice %arg10[%arg0, %mul3A_2, %dma_wait3A] : memref<2x10112x16xf32, #tpu.memory_space<hbm>> -> memref<1x632x16xf32, #tpu.memory_space<hbm>>
      %dma_wait3A_15 = tpu.memref_squeeze %dma_wait3A_14 : memref<1x632x16xf32, #tpu.memory_space<hbm>> -> memref<632x16xf32, #tpu.memory_space<hbm>>
      %dma_wait3A_16 = arith.constant 0 : i32
      %dma_wait3A_17 = tpu.memref_slice %arg19[%mul3A_2, %dma_wait3A_16] : memref<10112x16xf32, #tpu.memory_space<vmem_shared>> -> memref<632x16xf32, #tpu.memory_space<vmem_shared>>
      tpu.wait_dma2 semaphore(%run_scoped3A : memref<!tpu.dma_semaphore, #tpu.memory_space<semaphore_mem>>) src(%dma_wait3A_17 : memref<632x16xf32, #tpu.memory_space<vmem_shared>>) dst(%dma_wait3A_15 : memref<632x16xf32, #tpu.memory_space<hbm>>)
      tpu.yield
    }) : () -> ()
    return
  }
}

module attributes {stable_mosaic.version = 14 : i64} {
  func.func @_tc1_body(%arg0: memref<10000x128xf32, #tpu.memory_space<vmem>>, %arg1: memref<128x128xf32, #tpu.memory_space<vmem>>, %arg2: memref<128x16xf32, #tpu.memory_space<vmem>>, %arg3: memref<10000x128xf32, #tpu.memory_space<vmem>>, %arg4: memref<10000x16xf32, #tpu.memory_space<vmem>>) attributes {dimension_semantics = [], scalar_prefetch = 0 : i64, scratch_operands = 0 : i64, tpu.core_type = #tpu.core_type<tc>} {
    %get3A = arith.constant 0 : index
    %get3A_0 = arith.constant 0 : index
    %get3A_1 = vector.load %arg0[%get3A, %get3A_0] : memref<10000x128xf32, #tpu.memory_space<vmem>>, vector<10000x128xf32>
    %get3A_2 = arith.constant 0 : index
    %get3A_3 = arith.constant 0 : index
    %get3A_4 = vector.load %arg1[%get3A_2, %get3A_3] : memref<128x128xf32, #tpu.memory_space<vmem>>, vector<128x128xf32>
    %dot_general3A = arith.constant dense<0.000000e+00> : vector<10000x128xf32>
    %dot_general3A_5 = tpu.matmul %get3A_1, %get3A_4, %dot_general3A {dimension_numbers = #tpu.dot_dimension_numbers<[1], [0], [0], [1], [0, 0, 1, 1], [], []>, transpose_lhs_hint = false} : vector<10000x128xf32>, vector<128x128xf32>, vector<10000x128xf32> -> vector<10000x128xf32>
    %swap3A = arith.constant 0 : index
    %swap3A_6 = arith.constant 0 : index
    %swap3A_7 = vector.load %arg3[%swap3A, %swap3A_6] : memref<10000x128xf32, #tpu.memory_space<vmem>>, vector<10000x128xf32>
    tpu.vector_store %arg3[%swap3A, %swap3A_6], %dot_general3A_5 {strides = array<i32>} : memref<10000x128xf32, #tpu.memory_space<vmem>>, vector<10000x128xf32>,
    %get3A_8 = arith.constant 0 : index
    %get3A_9 = arith.constant 0 : index
    %get3A_10 = vector.load %arg2[%get3A_8, %get3A_9] : memref<128x16xf32, #tpu.memory_space<vmem>>, vector<128x16xf32>
    %dot_general3A_11 = arith.constant dense<0.000000e+00> : vector<10000x16xf32>
    %dot_general3A_12 = tpu.matmul %dot_general3A_5, %get3A_10, %dot_general3A_11 {dimension_numbers = #tpu.dot_dimension_numbers<[1], [0], [0], [1], [0, 0, 1, 1], [], []>, transpose_lhs_hint = false} : vector<10000x128xf32>, vector<128x16xf32>, vector<10000x16xf32> -> vector<10000x16xf32>
    %swap3A_13 = arith.constant 0 : index
    %swap3A_14 = arith.constant 0 : index
    %swap3A_15 = vector.load %arg4[%swap3A_13, %swap3A_14] : memref<10000x16xf32, #tpu.memory_space<vmem>>, vector<10000x16xf32>
    tpu.vector_store %arg4[%swap3A_13, %swap3A_14], %dot_general3A_12 {strides = array<i32>} : memref<10000x16xf32, #tpu.memory_space<vmem>>, vector<10000x16xf32>,
    return
  }
}

module attributes {stable_mosaic.version = 14 : i64} {
  func.func @_tc3_body(%arg0: memref<2x10112x128xf32, #tpu.memory_space<vmem>>, %arg1: memref<2x10112x16xf32, #tpu.memory_space<vmem>>, %arg2: memref<16x128xf32, #tpu.memory_space<vmem>>, %arg3: memref<128xf32, #tpu.memory_space<vmem>>, %arg4: memref<10000x128xf32, #tpu.memory_space<vmem>>) attributes {dimension_semantics = [], scalar_prefetch = 0 : i64, scratch_operands = 0 : i64, tpu.core_type = #tpu.core_type<tc>} {
    %get3A = arith.constant 0 : index
    %get3A_0 = arith.constant 0 : index
    %get3A_1 = arith.constant 0 : index
    %get3A_2 = vector.load %arg0[%get3A, %get3A_0, %get3A_1] : memref<2x10112x128xf32, #tpu.memory_space<vmem>>, vector<1x10000x128xf32>
    %get3A_3 = vector.shape_cast %get3A_2 : vector<1x10000x128xf32> to vector<10000x128xf32>
    %get3A_4 = arith.constant 1 : index
    %get3A_5 = arith.constant 0 : index
    %get3A_6 = arith.constant 0 : index
    %get3A_7 = vector.load %arg0[%get3A_4, %get3A_5, %get3A_6] : memref<2x10112x128xf32, #tpu.memory_space<vmem>>, vector<1x10000x128xf32>
    %get3A_8 = vector.shape_cast %get3A_7 : vector<1x10000x128xf32> to vector<10000x128xf32>
    %add3A = arith.addf %get3A_3, %get3A_8 : vector<10000x128xf32>
    %get3A_9 = arith.constant 0 : index
    %get3A_10 = arith.constant 0 : index
    %get3A_11 = arith.constant 0 : index
    %get3A_12 = vector.load %arg1[%get3A_9, %get3A_10, %get3A_11] : memref<2x10112x16xf32, #tpu.memory_space<vmem>>, vector<1x10000x16xf32>
    %get3A_13 = vector.shape_cast %get3A_12 : vector<1x10000x16xf32> to vector<10000x16xf32>
    %get3A_14 = arith.constant 1 : index
    %get3A_15 = arith.constant 0 : index
    %get3A_16 = arith.constant 0 : index
    %get3A_17 = vector.load %arg1[%get3A_14, %get3A_15, %get3A_16] : memref<2x10112x16xf32, #tpu.memory_space<vmem>>, vector<1x10000x16xf32>
    %get3A_18 = vector.shape_cast %get3A_17 : vector<1x10000x16xf32> to vector<10000x16xf32>
    %add3A_19 = arith.addf %get3A_13, %get3A_18 : vector<10000x16xf32>
    %get3A_20 = arith.constant 0 : index
    %get3A_21 = arith.constant 0 : index
    %get3A_22 = vector.load %arg2[%get3A_20, %get3A_21] : memref<16x128xf32, #tpu.memory_space<vmem>>, vector<16x128xf32>
    %dot_general3A = arith.constant dense<0.000000e+00> : vector<10000x128xf32>
    %dot_general3A_23 = tpu.matmul %add3A_19, %get3A_22, %dot_general3A {dimension_numbers = #tpu.dot_dimension_numbers<[1], [0], [0], [1], [0, 0, 1, 1], [], []>, transpose_lhs_hint = false} : vector<10000x16xf32>, vector<16x128xf32>, vector<10000x128xf32> -> vector<10000x128xf32>
    %add3A_24 = arith.constant 9.99999971E-10 : f32
    %add3A_25 = vector.broadcast %add3A_24 : f32 to vector<10000x128xf32>
    %add3A_26 = arith.addf %dot_general3A_23, %add3A_25 : vector<10000x128xf32>
    %div3A = arith.divf %add3A, %add3A_26 : vector<10000x128xf32>
    %get3A_27 = arith.constant 0 : index
    %get3A_28 = vector.load %arg3[%get3A_27] : memref<128xf32, #tpu.memory_space<vmem>>, vector<128xf32>
    %broadcast_in_dim3A = vector.shape_cast %get3A_28 : vector<128xf32> to vector<1x128xf32>
    %add3A_29 = vector.broadcast %broadcast_in_dim3A : vector<1x128xf32> to vector<10000x128xf32>
    %add3A_30 = arith.addf %div3A, %add3A_29 : vector<10000x128xf32>
    %min3A = arith.constant 0.000000e+00 : f32
    %min3A_31 = vector.broadcast %min3A : f32 to vector<10000x128xf32>
    %min3A_32 = arith.minimumf %add3A_30, %min3A_31 : vector<10000x128xf32>
    %exp3A = math.exp %min3A_32 : vector<10000x128xf32>
    %sub3A = arith.constant 1.000000e+00 : f32
    %sub3A_33 = vector.broadcast %sub3A : f32 to vector<10000x128xf32>
    %sub3A_34 = arith.subf %exp3A, %sub3A_33 : vector<10000x128xf32>
    %gt3A = arith.constant 0.000000e+00 : f32
    %gt3A_35 = vector.broadcast %gt3A : f32 to vector<10000x128xf32>
    %gt3A_36 = arith.cmpf ogt, %add3A_30, %gt3A_35 : vector<10000x128xf32>
    %select_n3A = arith.select %gt3A_36, %add3A_30, %sub3A_34 : vector<10000x128xi1>, vector<10000x128xf32>
    %swap3A = arith.constant 0 : index
    %swap3A_37 = arith.constant 0 : index
    %swap3A_38 = vector.load %arg4[%swap3A, %swap3A_37] : memref<10000x128xf32, #tpu.memory_space<vmem>>, vector<10000x128xf32>
    tpu.vector_store %arg4[%swap3A, %swap3A_37], %select_n3A {strides = array<i32>} : memref<10000x128xf32, #tpu.memory_space<vmem>>, vector<10000x128xf32>,
    return
  }
}

</mosaic_0001>

<sc_bundles>
// kernel: kernel.5.cloned.1.call-start
scs
__scs_entry_jumppad:
0x0: {  	(pc) =	sbr.rel $0x88, $3  }
0x1: {  	(tag) =	ssettag $0x0;
	lr =	simm.s32 $0x1  }
0x2: {  	[smem:$0x3F9B] =	sst lr;
	_ =	strace $0xD0000000  }
0x3: {  	_ = 	snop  }
0x4: {  	_ = 	snop  }
0x5: {  	_ = 	snop  }
0x6: {  	_ = 	snop  }
0x7: {  	_ = 	snop  }
__scs_overlays_trampoline_lowered:
0x8: {  	[smem:$0x3FAA] =	sst s0  }
0x9: {  	[smem:$0x3FAB] =	sst s1  }
0xa: {  	[smem:$0x3FAC] =	sst s2  }
0xb: {  	[smem:$0x3FAD] =	sst s3  }
0xc: {  	[smem:$0x3FAE] =	sst s4  }
0xd: {  	[smem:$0x3FAF] =	sst s5  }
0xe: {  	[smem:$0x3FB0] =	sst s6  }
0xf: {  	[smem:$0x3FB1] =	sst s7  }
0x10: {  	[smem:$0x3FB2] =	sst s8  }
0x11: {  	[smem:$0x3FB3] =	sst s9;
	s0 =	simm.s32 @!p0 $0x0  }
0x12: {  	s1 =	sld [smem:$0x3F99];
	s0 =	simm.s32 @p0 $0x1  }
0x13: {  	[smem:$0x3FB4] =	sst s0;
	s0 =	simm.s32 @!p1 $0x0  }
0x14: {  	s2 =	sld [smem:$0x3F98];
	s0 =	simm.s32 @p1 $0x1  }
0x15: {  	[smem:$0x3FB5] =	sst s0;
	s0 =	simm.s32 @!p2 $0x0  }
0x16: {  	s3 =	sld [smem:$0x3FDB];
	s0 =	simm.s32 @p2 $0x1  }
0x17: {  	s4 =	simm.s32 $0x1BF5;
	[smem:$0x3FB7] =	sst s0  }
0x18: {  	s0 =	sld [smem:$0x3F9A];
	_ =	swait.ge [sflag:s4], $0x0  }
0x19: {  	s7 =	sld [smem:$0x3F9B]  }
0x1a: {  	s8 =	sadd.s32 $0xFFFFE003, lr  }
0x1b: {  	s9 =	sadd.s32 $0xFFFFFEF7, lr;
	s5 =	simm.s32 $0xFFFFFFFF;
	p2 =	slt.u32 s8, $0xFFFFF086  }
0x1c: {  	p1 =	slt.u32 s9, $0xF7A;
	s5 =	simm.s32 @!p2 $0x0  }
0x1d: {  	s5 =	simm.s32 @p1 $0x1;
	p0 =	seq.s32 s7, s2  }
0x1e: {  	s7 =	smul.u32 @!p0 $0xF7A, s2;
	p2 =	seq.s32 @!p0 s5, $0x0  }
0x1f: {  	s9 =	smul.u32 $0xF7A, s1;
	s8 =	simm.s32 @!p0 $0x1BF5;
	p2 =	por !p2, p0  }
0x20: {  	[sflag:s8] =	ssyncset.s32 @!p0 $0xFFFFF086;
	s6 =	sadd.s32 @!p0 s3, s7;
	s7 =	simm.s32 @!p0 $0x108  }
0x21: {  	s3 =	sadd.s32 s3, s9;
	s6 =	sadd.s32 @!p0 $0x88, s6;
	s7 =	simm.s32 @p2 $0x1082  }
0x22: {  	[simem:s7], [sflag:s8] =	dma.local @!p0 [hbm:s6], $0xF7A  }
0x23: {  	s9 =	sor.u32 $0xD0000000, s2;
	s6 =	simm.s32 $0x108;
	_ =	swait.ge @!p0 [sflag:s8], $0x0  }
0x24: {  	s3 =	sadd.s32 $0x88, s3;
	s6 =	simm.s32 @!p1 $0x1082;
	[sflag:s4] =	ssyncset.s32 $0xFFFFF086  }
0x25: {  	[simem:s6], [sflag:s4] =	dma.local [hbm:s3], $0xF7A  }
0x26: {  	[smem:$0x3F9B] =	sst s1;
	(tag) =	ssettag s2;
	_ =	strace s9  }
0x27: {  	s1 =	sld [smem:$0x3FAB]  }
0x28: {  	s2 =	sld [smem:$0x3FAC]  }
0x29: {  	s4 =	sld [smem:$0x3FAE]  }
0x2a: {  	p0 =	seq.s32 s5, $0x0;
	s5 =	sld [smem:$0x3FAF]  }
0x2b: {  	s6 =	sld [smem:$0x3FB0]  }
0x2c: {  	s7 =	sld [smem:$0x3FB1]  }
0x2d: {  	s3 =	simm.s32 $0x108;
	s8 =	sld [smem:$0x3FB2]  }
0x2e: {  	s3 =	simm.s32 @!p0 $0x1082;
	s9 =	sld [smem:$0x3FB3]  }
0x2f: {  	lr =	sadd.s32 s0, s3;
	s0 =	sld [smem:$0x3FAA]  }
0x30: {  	s3 =	sld [smem:$0x3FAD]  }
0x31: {  	[smem:$0x3FB6] =	sst s10  }
0x32: {  	s10 =	sld [smem:$0x3FB4];
	_ =	sdelay $0x3  }
0x33: {  	p0 =	seq.s32 s10, $0x1;
	s10 =	sld [smem:$0x3FB6];
	_ =	sdelay $0x3  }
0x34: {  	[smem:$0x3FB6] =	sst s10  }
0x35: {  	s10 =	sld [smem:$0x3FB5];
	_ =	sdelay $0x3  }
0x36: {  	p1 =	seq.s32 s10, $0x1;
	s10 =	sld [smem:$0x3FB6];
	_ =	sdelay $0x3  }
0x37: {  	[smem:$0x3FB6] =	sst s10  }
0x38: {  	s10 =	sld [smem:$0x3FB7]  }
0x39: {  	_ = 	snop;
	(pc) =	sbr.ind lr, $3  }
0x3a: {  	_ = 	snop  }
0x3b: {  	_ = 	snop  }
0x3c: {  	p2 =	seq.s32 s10, $0x1;
	s10 =	sld [smem:$0x3FB6]  }
0x3d: {  	_ =	shalt  }
0x3e: {  	_ =	shalt  }
0x3f: {  	_ =	shalt  }
0x40: {  	_ =	shalt  }
0x41: {  	_ =	shalt  }
0x42: {  	_ =	shalt  }
0x43: {  	_ =	shalt  }
0x44: {  	_ =	shalt  }
0x45: {  	_ =	shalt  }
0x46: {  	_ =	shalt  }
0x47: {  	_ =	shalt  }
0x48: {  	_ =	shalt  }
0x49: {  	_ =	shalt  }
0x4a: {  	_ =	shalt  }
0x4b: {  	_ =	shalt  }
0x4c: {  	_ =	shalt  }
0x4d: {  	_ =	shalt  }
0x4e: {  	_ =	shalt  }
0x4f: {  	_ =	shalt  }
0x50: {  	_ =	shalt  }
0x51: {  	_ =	shalt  }
0x52: {  	_ =	shalt  }
0x53: {  	_ =	shalt  }
0x54: {  	_ =	shalt  }
0x55: {  	_ =	shalt  }
0x56: {  	_ =	shalt  }
0x57: {  	_ =	shalt  }
0x58: {  	_ =	shalt  }
0x59: {  	_ =	shalt  }
0x5a: {  	_ =	shalt  }
0x5b: {  	_ =	shalt  }
0x5c: {  	_ =	shalt  }
0x5d: {  	_ =	shalt  }
0x5e: {  	_ =	shalt  }
0x5f: {  	_ =	shalt  }
0x60: {  	_ =	shalt  }
0x61: {  	_ =	shalt  }
0x62: {  	_ =	shalt  }
0x63: {  	_ =	shalt  }
0x64: {  	_ =	shalt  }
0x65: {  	_ =	shalt  }
0x66: {  	_ =	shalt  }
0x67: {  	_ =	shalt  }
0x68: {  	_ =	shalt  }
0x69: {  	_ =	shalt  }
0x6a: {  	_ =	shalt  }
0x6b: {  	_ =	shalt  }
0x6c: {  	_ =	shalt  }
0x6d: {  	_ =	shalt  }
0x6e: {  	_ =	shalt  }
0x6f: {  	_ =	shalt  }
0x70: {  	_ =	shalt  }
0x71: {  	_ =	shalt  }
0x72: {  	_ =	shalt  }
0x73: {  	_ =	shalt  }
0x74: {  	_ =	shalt  }
0x75: {  	_ =	shalt  }
0x76: {  	_ =	shalt  }
0x77: {  	_ =	shalt  }
0x78: {  	_ =	shalt  }
0x79: {  	_ =	shalt  }
0x7a: {  	_ =	shalt  }
0x7b: {  	_ =	shalt  }
0x7c: {  	_ =	shalt  }
0x7d: {  	_ =	shalt  }
0x7e: {  	_ =	shalt  }
0x7f: {  	_ =	shalt  }
0x80: {  	_ =	shalt  }
0x81: {  	_ =	shalt  }
0x82: {  	_ =	shalt  }
0x83: {  	_ =	shalt  }
0x84: {  	_ =	shalt  }
0x85: {  	_ =	shalt  }
0x86: {  	_ =	shalt  }
0x87: {  	_ =	shalt  }
.Lfunc_end0:
.L_simem_size_0:
called_computation_lowered:
.L_overlay_start_0:
0x88: {  	s2 =	sld [smem:$0x3FD9]  }
0x89: {  	s3 =	sld [smem:$0x3FFE];
	_ =	sdelay $0x1  }
0x8a: {  	s1 =	srdreg.scid  }
0x8b: {  	s0 =	sand.u32 $0x1, s1  }
0x8c: {  	s17 =	sshll.u32 s0, $0xA;
	s2 =	sadd.s32 s3, s2  }
0x8d: {  	s2 =	sadd.s32 s2, s17  }
0x8e: {  	[smem:$0x3FC2] =	sst s2  }
0x8f: {  	_ = 	snop  }
0x90: {  	s2 =	sld [smem:$0x3FD0];
	(tm) =	ssettm $0x1  }
0x91: {  	s18 =	sld [smem:$0x3FFB];
	_ =	sdelay $0x3  }
0x92: {  	_ =	strace s18  }
0x93: {  	s3 =	sld [smem:$0x3FFC];
	_ =	sdelay $0x3  }
0x94: {  	_ =	strace s3  }
0x95: {  	s3 =	sld [smem:$0x3FFD];
	_ =	sdelay $0x3  }
0x96: {  	_ =	strace s3  }
0x97: {  	_ =	strace $0x8FFFFFFF  }
0x98: {  	s19 =	sld [smem:$0x3FDB];
	_ =	sdelay $0x1  }
0x99: {  	s4 =	simm.s32 $_scs_section_size  }
0x9a: {  	s5 =	simm.s32 $_size__tile_overlayer_lowered;
	s6 =	simm.s32 $_tile_overlayer_lowered  }
0x9b: {  	s22 =	simm.s32 $0x1BFF;
	s21 =	sshll.u32 s6, $0x1;
	s3 =	sadd.s32 s4, s19  }
0x9c: {  	s7 =	simm.s32 $0x0;
	s20 =	sshll.u32 s5, $0x1;
	s5 =	sadd.s32 s21, s3  }
0x9d: {  	[timem:s7], [sflag:s22] =	dma.local [hbm:s5], s20  }
0x9e: {  	_ =	swait.ge [sflag:s22], s20  }
0x9f: {  	s4 =	ssub.s32 $0x0, s20;
	[sflag:s22] =	ssyncset.done $0x0  }
0xa0: {  	[sflag:s22] =	ssyncadd.s32 s4;
	_ =	sdelay $0x1  }
0xa1: {  	s23 =	simm.s32 $0x1B8B  }
0xa2: {  	_ =	swait.ge [sflag:s23], $0x1  }
0xa3: {  	[sflag:s23] =	ssyncset.done $0x0  }
0xa4: {  	s25 =	simm.s32 $0x1B8E;
	s24 =	sld [smem:$0x3FFE];
	[sflag:s23] =	ssyncadd.s32 $0xFFFFFFFF  }
0xa5: {  	s26 =	simm.s32 $execute0_lowered;
	[smem:$0x3FD2] =	sst s25  }
0xa6: {  	s5 =	sshll.u32 s26, $0x1;
	_ =	strace $0x80000046;
	[dreg:$0x1] =	wrdreg $0xFFFFFFFF  }
0xa7: {  	s28 =	simm.s32 $_size_execute0_lowered;
	s3 =	sadd.s32 s3, s5;
	[dreg:$0x0] =	wrdreg $0x0  }
0xa8: {  	s5 =	sshll.u32 s28, $0x1;
	[dreg:$0x2] =	wrdreg s3  }
0xa9: {  	[dreg:$0x3] =	wrdreg s5  }
0xaa: {  	[dreg:$0x4] =	wrdreg $0xC0  }
0xab: {  	_ =	task [dreg:s7], $0x5FFFF  }
0xac: {  	[dreg:$0x1] =	wrdreg $0xFFFFFFFF  }
0xad: {  	[dreg:$0x0] =	wrdreg $0x60  }
0xae: {  	[dreg:$0x2] =	wrdreg s24  }
0xaf: {  	[dreg:$0x3] =	wrdreg s2  }
0xb0: {  	[dreg:$0x4] =	wrdreg $0x39600  }
0xb1: {  	[dreg:$0x5] =	wrdreg $0x175600  }
0xb2: {  	[dreg:$0x6] =	wrdreg $0x9  }
0xb3: {  	_ =	task.clear_ibuf [dreg:s7], $0x7FFFF;
	_ =	strace $0x90000046  }
0xb4: {  	s29 =	simm.s32 $0x9;
	_ =	strace $0x80000048  }
0xb5: {  	_ =	swait.ge [sflag:s29], $0x1  }
0xb6: {  	[sflag:s29] =	ssyncadd.s32 $0xFFFFFFFF  }
0xb7: {  	_ =	strace $0x90000048  }
0xb8: {  	_ =	sfence  }
0xb9: {  	s30 =	sld [smem:$0x0];
	_ =	sdelay $0x2  }
0xba: {  	s31 =	sshll.u32 s1, $0xD;
	s1 =	sshrl.u32 s1, $0x2  }
0xbb: {  	s3 =	sand.u32 $0x4000, s31;
	s1 =	sadd.s32 s1, s30  }
0xbc: {  	s0 =	sor.u32 s3, s0;
	s1 =	sshll.u32 s1, $0x11  }
0xbd: {  	s0 =	sor.u32 s1, s0  }
0xbe: {  	s0 =	sadd.s32 $0x8F2B, s0  }
0xbf: {  	[sflag:s0] =	ssyncadd.remote.s32 $0x1  }
0xc0: {  	_ =	sfence.sel $0xFFFF  }
0xc1: {  	[dreg:$0x0] =	wrdreg $0xFFFFFFFF;
	(pc) =	sbr.abs _section_cstart, $3  }
0xc2: {  	[dreg:$0x1] =	wrdreg $0xFFFFFFFF  }
0xc3: {  	_ =	task.clear_ibuf [dreg:s7], $0x2FFFF;
	_ =	strace $0x9FFFFFFF  }
0xc4: {  	(tm) =	ssettm $0x7FFFFFFF  }
0xc5: {  	_ =	shalt  }
tec
execute0_lowered:
.L_overlay_start_1:
0x0: {  	(tag) =	ssettag $0x1  }
0x1: {  	s0 =	rddreg [dreg:$0x0]  }
0x2: {  	s15 =	rddreg [dreg:$0x1]  }
0x3: {  	s1 =	rddreg [dreg:$0x2]  }
0x4: {  	s2 =	rddreg [dreg:$0x3];
	s4 =	simm.s32 $0x0  }
0x5: {  	s3 =	stileid.u32;
	s7 =	srdreg.scid;
	s22 =	simm.s32 $0x1860  }
0x6: {  	s23 =	simm.s32 $0x1B60;
	s24 =	simm.s32 $0x1;
	s25 =	simm.s32 $0x3660  }
0x7: {  	s26 =	simm.s32 $0x1E60;
	[smem:$0x7FF] =	sst s4;
	s10 =	smul.u32 $0x13C00, s3  }
0x8: {  	s5 =	sadd.s32 $0xB000, s0;
	s6 =	sadd.s32 $0x6000, s0;
	s13 =	smul.u32 $0x2780, s3  }
0x9: {  	s11 =	sand.u32 $0x1, s7;
	s7 =	sadd.s32 $0x1000, s0;
	s8 =	sadd.s32 $0x3C600, s0  }
0xa: {  	s9 =	sadd.s32 $0x32800, s0;
	s28 =	sshll.u32 s3, $0x1;
	s29 =	sshll.u32 s3, $0x6  }
0xb: {  	_ =	strace $0x80000047;
	s14 =	smul.u32 $0x13C000, s11;
	s17 =	ssub.s32 $0x2, s11  }
0xc: {  	s19 =	smul.u32 $0x27800, s11;
	s12 =	sshrl.u32 s10, $0x3;
	s16 =	sshrl.u32 s13, $0x3  }
0xd: {  	s18 =	sshrl.u32 s17, $0x1;
	s20 =	sadd.s32 s10, s1;
	s21 =	sadd.s32 s13, s2  }
0xe: {  	s12 =	sadd.s32 s12, s0;
	s14 =	sadd.s32 s10, s14;
	s16 =	sadd.s32 s16, s0  }
0xf: {  	s17 =	ssub.s32 s17, s18;
	s30 =	sadd.s32 s13, s19;
	s18 =	simm.s32 $0x2  }
0x10: {  	s19 =	sshrl.u32 s21, $0x3;
	s21 =	simm.s32 $0x60;
	s14 =	sshrl.u32 s14, $0x3  }
0x11: {  	s10 =	sadd.s32 $0x46400, s12;
	s12 =	sadd.s32 $0x6DC00, s16;
	s31 =	sshrl.u32 s30, $0x3  }
0x12: {  	vm0 =	vmmov $0xff;
	v0 =	vimm.s32 $0x0;
	v1 =	vimm.s32 $0x1;
	s16 =	smax.u32 s17, $0x1;
	s17 =	sshrl.u32 s20, $0x3;
	s20 =	simm.s32 $0x30  }
0x13: {  	v2 =	vimm.s32 $0x2;
	v3 =	vimm.s32 $0x3;
	v4 =	vimm.s32 $0x4;
	s0 =	sadd.s32 s14, s0;
	s14 =	sor.u32 s11, s28;
	s11 =	sor.u32 $0x1C02, s29  }
0x14: {  	v5 =	vimm.s32 $0x5;
	v6 =	vimm.s32 $0x6;
	v7 =	vimm.s32 $0x7;
	s15 =	sadd.s32 s15, s31;
	s13 =	smul.u32 $0xD1, s14;
	s14 =	sadd.s32 $0x72C00, s0  }
.LBB2_1:
0x15: {  	[spmem:s17], [sflag:s11] =	dma.local [hbm:s10], $0x2780  }
0x16: {  	_ =	swait.ge [sflag:s18], $0x2780  }
0x17: {  	[sflag:s18] =	ssyncset.done $0x0  }
0x18: {  	[sflag:s18] =	ssyncadd.s32 $0xFFFFD880  }
0x19: {  	[spmem:s19], [sflag:s11] =	dma.local [hbm:s12], $0x4F0  }
0x1a: {  	_ =	swait.ge [sflag:s18], $0x4F0  }
0x1b: {  	[sflag:s18] =	ssyncset.done $0x0  }
0x1c: {  	[sflag:s18] =	ssyncadd.s32 $0xFFFFFB10  }
0x1d: {  	s28 =	simm.s32 $0x0;
	[bflag:$0x0] =	sbarrier.arrive $0xFFFF  }
.LBB2_2:
0x1e: {  	s0 =	sadd.s32 s13, s28  }
0x1f: {  	s0 =	smul.u32 $0x6, s0;
	_ =	sdelay $0x1  }
0x20: {  	s30 =	simm.s32 $0x0;
	s29 =	sadd.s32 s8, s0  }
0x21: {  	[tilespmem:s30], [sflag:$0x2] =	stream.linear.gather [hbm4b:s29+s30], $0x30, $0x38;
	[tilespmem:$0x19CE0] =	vst v63  }
0x22: {  	_ =	swait.ge [sflag:s18], $0x30  }
0x23: {  	[sflag:s18] =	ssyncset.done $0x0  }
0x24: {  	s0 =	sadd.s32 s9, s0;
	[sflag:s18] =	ssyncadd.s32 $0xFFFFFFD0  }
0x25: {  	[tilespmem:s20], [sflag:$0x2] =	stream.linear.gather [hbm4b:s0+s30], $0x30, $0x38;
	[tilespmem:$0x19CE0] =	vst v63  }
0x26: {  	_ =	swait.ge [sflag:s18], $0x30  }
0x27: {  	[sflag:s18] =	ssyncset.done $0x0  }
0x28: {  	[sflag:s18] =	ssyncadd.s32 $0xFFFFFFD0  }
0x29: {  	[tilespmem:s21], [sflag:$0x1] =	stream.indirect.gather [hbm4b:s5+s20], $0x80, s30, s20, $0xb8;
	[tilespmem:$0x19CE0] =	vst v63  }
0x2a: {  	_ = 	snop  }
0x2b: {  	[tilespmem:s22], [sflag:$0x1] =	stream.indirect.gather [hbm4b:s6+s20], $0x10, s30, s20, $0xb8;
	[tilespmem:$0x19CE0] =	vst v63  }
0x2c: {  	_ = 	snop  }
0x2d: {  	[tilespmem:s23], [sflag:$0x1] =	stream.indirect.gather [hbm4b:s7+s20], $0x10, s20, s20, $0xb8;
	[tilespmem:$0x19CE0] =	vst v63  }
0x2e: {  	_ =	swait.ge [sflag:s24], $0x1800  }
0x2f: {  	[sflag:s24] =	ssyncset.done $0x0  }
0x30: {  	[sflag:s24] =	ssyncadd.s32 $0xFFFFE800  }
0x31: {  	_ =	swait.ge [sflag:s24], $0x300  }
0x32: {  	[sflag:s24] =	ssyncset.done $0x0  }
0x33: {  	[sflag:s24] =	ssyncadd.s32 $0xFFFFFD00  }
0x34: {  	_ =	swait.ge [sflag:s24], $0x300  }
0x35: {  	[sflag:s24] =	ssyncset.done $0x0  }
0x36: {  	s3 =	simm.s32 $0x0;
	[sflag:s24] =	ssyncadd.s32 $0xFFFFFD00  }
0x37: {  	v8 =	vld [tilespmem:s3+$0x1860]  }
0x38: {  	v9 =	vld [tilespmem:s3+$0x1B60];
	_ =	sdelay $0x4  }
0x39: {  	v8 =	vadd.f32 v9, v8;
	_ =	sdelay $0x1  }
0x3a: {  	v9 =	vmul.f32 $2.000000030e-01, v8  }
0x3b: {  	vm1 =	vgt.f32 v8, $0.0e+00  }
0x3c: {  	v8 =	vsel vm1, v8, v9  }
0x3d: {  	v8 =	vmul.f32 $1.442695020e+00, v8;
	_ =	sdelay $0x1  }
0x3e: {  	(erf) = vpow2.f32 v8;
	_ =	sdelay $0x8  }
0x3f: {  	v8 =	vpop (erf)  }
0x40: {  	v8 =	vnsel vm0, $0x0, v8  }
0x41: {  	s29 =	simm.s32 $0xA0;
	[tilespmem:s3+$0x3660] =	vst v8  }
0x42: {  	v9 =	vld [tilespmem:s29+$0xFFFFFFC0];
	_ =	sdelay $0x2  }
0x43: {  	v10 =	vperm.xlane v8, v0;
	_ =	sdelay $0x1  }
0x44: {  	v9 =	vmul.f32 v9, v10  }
0x45: {  	s30 =	simm.s32 $0x1EA0  }
0x46: {  	[tilespmem:s30+$0xFFFFFFC0] =	vst v9  }
0x47: {  	v9 =	vld [tilespmem:s29+$0xFFFFFFD0];
	_ =	sdelay $0x2  }
0x48: {  	v10 =	vperm.xlane v8, v1;
	_ =	sdelay $0x1  }
0x49: {  	v9 =	vmul.f32 v9, v10;
	_ =	sdelay $0x1  }
0x4a: {  	[tilespmem:s30+$0xFFFFFFD0] =	vst v9  }
0x4b: {  	v9 =	vld [tilespmem:s29+$0xFFFFFFE0];
	_ =	sdelay $0x2  }
0x4c: {  	v10 =	vperm.xlane v8, v2;
	_ =	sdelay $0x1  }
0x4d: {  	v9 =	vmul.f32 v9, v10;
	_ =	sdelay $0x1  }
0x4e: {  	[tilespmem:s30+$0xFFFFFFE0] =	vst v9  }
0x4f: {  	v9 =	vld [tilespmem:s29+$0xFFFFFFF0];
	_ =	sdelay $0x2  }
0x50: {  	v10 =	vperm.xlane v8, v3;
	_ =	sdelay $0x1  }
0x51: {  	v9 =	vmul.f32 v9, v10;
	_ =	sdelay $0x1  }
0x52: {  	[tilespmem:s30+$0xFFFFFFF0] =	vst v9  }
0x53: {  	v9 =	vld [tilespmem:s29+$0x0];
	_ =	sdelay $0x2  }
0x54: {  	v10 =	vperm.xlane v8, v4;
	_ =	sdelay $0x1  }
0x55: {  	v9 =	vmul.f32 v9, v10;
	_ =	sdelay $0x1  }
0x56: {  	[tilespmem:s30+$0x0] =	vst v9  }
0x57: {  	v9 =	vld [tilespmem:s29+$0x10];
	_ =	sdelay $0x2  }
0x58: {  	v10 =	vperm.xlane v8, v5;
	_ =	sdelay $0x1  }
0x59: {  	v9 =	vmul.f32 v9, v10;
	_ =	sdelay $0x1  }
0x5a: {  	[tilespmem:s30+$0x10] =	vst v9  }
0x5b: {  	v9 =	vld [tilespmem:s29+$0x20];
	_ =	sdelay $0x2  }
0x5c: {  	v10 =	vperm.xlane v8, v6;
	_ =	sdelay $0x1  }
0x5d: {  	v9 =	vmul.f32 v9, v10;
	_ =	sdelay $0x1  }
0x5e: {  	[tilespmem:s30+$0x20] =	vst v9  }
0x5f: {  	v9 =	vld [tilespmem:s29+$0x30];
	_ =	sdelay $0x2  }
0x60: {  	v8 =	vperm.xlane v8, v7;
	_ =	sdelay $0x1  }
0x61: {  	s31 =	simm.s32 $0x40;
	s0 =	simm.s32 $0x1EA0;
	v8 =	vmul.f32 v9, v8  }
.LBB2_3:
0x62: {  	p0 =	sne.s32 s31, $0xBC0;
	s30 =	sadd.s32 $0x80, s30;
	s29 =	sadd.s32 $0x80, s29  }
0x63: {  	s3 =	sshra.s32 s31, $0x2;
	s31 =	sadd.s32 $0x40, s31;
	[tilespmem:s0+$0x30] =	vst v8;
	s0 =	smov.u32 s30  }
0x64: {  	v8 =	vld [tilespmem:s3+$0x1860]  }
0x65: {  	v9 =	vld [tilespmem:s3+$0x1B60];
	_ =	sdelay $0x4  }
0x66: {  	v8 =	vadd.f32 v9, v8;
	_ =	sdelay $0x1  }
0x67: {  	vm1 =	vgt.f32 v8, $0.0e+00;
	v9 =	vmul.f32 $2.000000030e-01, v8;
	_ =	sdelay $0x1  }
0x68: {  	v8 =	vsel vm1, v8, v9  }
0x69: {  	v8 =	vmul.f32 $1.442695020e+00, v8;
	_ =	sdelay $0x1  }
0x6a: {  	(erf) = vpow2.f32 v8;
	_ =	sdelay $0x8  }
0x6b: {  	v8 =	vpop (erf)  }
0x6c: {  	v8 =	vnsel vm0, $0x0, v8  }
0x6d: {  	[tilespmem:s3+$0x3660] =	vst v8  }
0x6e: {  	v9 =	vld [tilespmem:s29+$0xFFFFFFC0];
	_ =	sdelay $0x1  }
0x6f: {  	v10 =	vperm.xlane v8, v0;
	_ =	sdelay $0x2  }
0x70: {  	v9 =	vmul.f32 v9, v10;
	_ =	sdelay $0x1  }
0x71: {  	[tilespmem:s30+$0xFFFFFFC0] =	vst v9  }
0x72: {  	v9 =	vld [tilespmem:s29+$0xFFFFFFD0];
	_ =	sdelay $0x1  }
0x73: {  	v10 =	vperm.xlane v8, v1;
	_ =	sdelay $0x2  }
0x74: {  	v9 =	vmul.f32 v9, v10;
	_ =	sdelay $0x1  }
0x75: {  	[tilespmem:s30+$0xFFFFFFD0] =	vst v9  }
0x76: {  	v9 =	vld [tilespmem:s29+$0xFFFFFFE0];
	_ =	sdelay $0x1  }
0x77: {  	v10 =	vperm.xlane v8, v2;
	_ =	sdelay $0x2  }
0x78: {  	v9 =	vmul.f32 v9, v10;
	_ =	sdelay $0x1  }
0x79: {  	[tilespmem:s30+$0xFFFFFFE0] =	vst v9  }
0x7a: {  	v9 =	vld [tilespmem:s29+$0xFFFFFFF0];
	_ =	sdelay $0x1  }
0x7b: {  	v10 =	vperm.xlane v8, v3;
	_ =	sdelay $0x2  }
0x7c: {  	v9 =	vmul.f32 v9, v10;
	_ =	sdelay $0x1  }
0x7d: {  	[tilespmem:s30+$0xFFFFFFF0] =	vst v9  }
0x7e: {  	v9 =	vld [tilespmem:s29+$0x0];
	_ =	sdelay $0x1  }
0x7f: {  	v10 =	vperm.xlane v8, v4;
	_ =	sdelay $0x2  }
0x80: {  	v9 =	vmul.f32 v9, v10;
	_ =	sdelay $0x1  }
0x81: {  	[tilespmem:s30+$0x0] =	vst v9  }
0x82: {  	v9 =	vld [tilespmem:s29+$0x10];
	_ =	sdelay $0x1  }
0x83: {  	v10 =	vperm.xlane v8, v5;
	_ =	sdelay $0x2  }
0x84: {  	v9 =	vmul.f32 v9, v10;
	_ =	sdelay $0x1  }
0x85: {  	[tilespmem:s30+$0x10] =	vst v9  }
0x86: {  	v9 =	vld [tilespmem:s29+$0x20];
	_ =	sdelay $0x1  }
0x87: {  	v10 =	vperm.xlane v8, v6;
	_ =	sdelay $0x2  }
0x88: {  	v9 =	vmul.f32 v9, v10;
	_ =	sdelay $0x1  }
0x89: {  	[tilespmem:s30+$0x20] =	vst v9  }
0x8a: {  	v9 =	vld [tilespmem:s29+$0x30]  }
.Ltmp0:
0x8b: {  	(pc) =	sbr.rel @p0 .LBB2_3-.Ltmp0, $2  }
0x8c: {  	v8 =	vperm.xlane v8, v7;
	_ =	sdelay $0x2  }
0x8d: {  	v8 =	vmul.f32 v9, v8  }
0x8e: {  	_ = 	snop  }
0x8f: {  	[tilespmem:s0+$0x30] =	vst v8  }
0x90: {  	[spmem:s2] =	stream.indirect.scatter.add.f32 [tilespmem:s25], [sflag:$0x2], $0x10, s20, s20, $0xb8;
	[tilespmem:$0x19CE0] =	vst v63  }
0x91: {  	s28 =	sadd.s32 $0x1, s28;
	_ =	swait.ge [sflag:s18], $0x300  }
0x92: {  	p0 =	sne.s32 s28, $0xD1;
	[sflag:s18] =	ssyncset.done $0x0  }
.Ltmp1:
0x93: {  	[sflag:s18] =	ssyncadd.s32 $0xFFFFFD00;
	(pc) =	sbr.rel @p0 .LBB2_2-.Ltmp1, $4  }
0x94: {  	[spmem:s1] =	stream.indirect.scatter.add.f32 [tilespmem:s26], [sflag:$0x2], $0x80, s20, s20, $0xb8;
	[tilespmem:$0x19CE0] =	vst v63  }
0x95: {  	_ =	swait.ge [sflag:s18], $0x1800  }
0x96: {  	[sflag:s18] =	ssyncset.done $0x0  }
0x97: {  	[sflag:s18] =	ssyncadd.s32 $0xFFFFE800  }
0x98: {  	[bflag:$0x0] =	sbarrier.arrive $0xFFFF  }
0x99: {  	[hbm:s14], [sflag:s11] =	dma.local [spmem:s17], $0x2780  }
0x9a: {  	s4 =	sadd.s32 $0x1, s4;
	_ =	swait.ge [sflag:s18], $0x2780  }
0x9b: {  	p0 =	sne.s32 s4, s16;
	[sflag:s18] =	ssyncset.done $0x0  }
.Ltmp2:
0x9c: {  	[sflag:s18] =	ssyncadd.s32 $0xFFFFD880;
	(pc) =	sbr.rel @p0 .LBB2_1-.Ltmp2, $4  }
0x9d: {  	[hbm:s15], [sflag:s11] =	dma.local [spmem:s19], $0x4F0  }
0x9e: {  	_ =	swait.ge [sflag:s18], $0x4F0  }
0x9f: {  	[sflag:s18] =	ssyncset.done $0x0  }
0xa0: {  	[sflag:s18] =	ssyncadd.s32 $0xFFFFFB10  }
0xa1: {  	_ =	sfence.sel $0x180000  }
0xa2: {  	[bflag:$0x0] =	sbarrier.arrive $0xFFFF  }
0xa3: {  	_ =	strace $0x90000047  }
0xa4: {  	s0 =	stileid.u32;
	[bflag:$0x2] =	sbarrier.arrive $0xFFFF  }
0xa5: {  	p0 =	sne.s32 s0, $0x0;
	s0 =	rddreg [dreg:$0x4]  }
0xa6: {  	s0 =	sadd.s32 @!p0 $0x100000, s0  }
0xa7: {  	[sflag:s0] =	ssyncadd.tile.s32 @!p0 $0x1;
	_ =	shalt  }
.Lfunc_end2:
_tile_overlayer_lowered:
.L_overlay_start_2:
0xa8: {  	(tag) =	ssettag $0x2  }
0xa9: {  	s0 =	rddreg [dreg:$0x0];
	s2 =	stileid.u32  }
0xaa: {  	s1 =	rddreg [dreg:$0x1];
	p0 =	sne.s32 s2, $0x0  }
0xab: {  	s3 =	rddreg [dreg:$0x2];
	[bflag:$0x3] =	sbarrier.arrive $0xFFFF;
	s2 =	simm.s32 @!p0 $0x1C02  }
0xac: {  	[timem:s3], [sflag:s2] =	dma.local @!p0 [hbm:s0], s1  }
0xad: {  	s0 =	simm.s32 @!p0 $0x2  }
0xae: {  	_ =	swait.ge @!p0 [sflag:s0], s1  }
0xaf: {  	s1 =	ssub.s32 @!p0 $0x0, s1;
	[sflag:s0] =	ssyncset.done @!p0 $0x0  }
0xb0: {  	[sflag:s0] =	ssyncadd.s32 @!p0 s1  }
0xb1: {  	[bflag:$0x3] =	sbarrier.arrive $0xFFFF  }
0xb2: {  	_ =	shalt  }

</sc_bundles>
